<compile_context>
chip_gen: v7x
topology: tpu7x:2x2x1
jax: 0.10.2.dev20260603
libtpu: 0.0.44.dev20260713+nightly
codegen_flags: <defaults>
</compile_context>

<pallas_src>
import jax
import jax.numpy as jnp
from jax.experimental import pallas as pl
from jax.experimental.pallas import tpu as pltpu


def _step(x_ref, e_ref, fcW_ref, fcb_ref, W0_ref, b0_ref, W1_ref, b1_ref,
          Wg_ref, bg_ref, Uru_ref, Uc_ref, out_ref, h_s):
    t = pl.program_id(0)
    b = pl.program_id(1)

    A = e_ref[0, 0]
    x = x_ref[0, 0]
    F = Uc_ref.shape[0]

    dot = lambda a, w: jnp.dot(a, w, preferred_element_type=jnp.float32)

    xi = jnp.maximum(dot(x, fcW_ref[...]) + fcb_ref[...], 0.0)
    z = jnp.maximum(dot(dot(A, xi), W0_ref[...]) + b0_ref[...], 0.0)
    z = jnp.maximum(dot(dot(A, z), W1_ref[...]) + b1_ref[...], 0.0)

    h = jnp.where(t == 0, 0.0, h_s[b])
    g = dot(z, Wg_ref[...]) + bg_ref[...]
    g_ru = g[:, : 2 * F] + dot(h, Uru_ref[...])
    ru = jax.nn.sigmoid(g_ru)
    r = ru[:, :F]
    u = ru[:, F:]
    c = jnp.tanh(g[:, 2 * F:] + dot(r * h, Uc_ref[...]))
    hn = u * h + (1.0 - u) * c

    h_s[b] = hn
    out_ref[0, 0] = hn


def kernel(x, e, fc_W, fc_b, W0, b0, W1, b1, Wr, Ur, br, Wu, Uu, bu, Wc, Uc, bc):
    B, T, N, in_ft = x.shape
    out_ft = Ur.shape[0]
    A = e[..., 0]

    Wg = jnp.concatenate([Wr, Wu, Wc], axis=1)
    bg = jnp.concatenate([br, bu, bc]).reshape(1, -1)
    Uru = jnp.concatenate([Ur, Uu], axis=1)

    row = lambda v: v.reshape(1, -1)
    wspec = lambda s: pl.BlockSpec(s, lambda t, b: (0, 0))

    grid = (T, B)
    out = pl.pallas_call(
        _step,
        grid=grid,
        in_specs=[
            pl.BlockSpec((1, 1, N, in_ft), lambda t, b: (b, t, 0, 0)),
            pl.BlockSpec((1, 1, N, N), lambda t, b: (b, t, 0, 0)),
            wspec(fc_W.shape), wspec((1, fc_b.shape[0])),
            wspec(W0.shape), wspec((1, b0.shape[0])),
            wspec(W1.shape), wspec((1, b1.shape[0])),
            wspec(Wg.shape), wspec(bg.shape), wspec(Uru.shape), wspec(Uc.shape),
        ],
        out_specs=pl.BlockSpec((1, 1, N, out_ft), lambda t, b: (b, t, 0, 0)),
        out_shape=jax.ShapeDtypeStruct((B, T, N, out_ft), jnp.float32),
        scratch_shapes=[pltpu.VMEM((B, N, out_ft), jnp.float32)],
    )(x, A, fc_W, row(fc_b), W0, row(b0), W1, row(b1), Wg, bg, Uru, Uc)
    return out

# --- scband reference (transcript-rebuilt; emitter-appended) ---
"""Pipeline reference for scband-temporal-egcnencoder-55722905698996 (READ-ONLY COPY).

The authoritative reference and input builder live on the scoring server;
editing this copy changes nothing except your own understanding.
"""

import jax, jax.numpy as jnp
import numpy as np


def setup_inputs(seed: int = 0) -> dict:
    key = jax.random.key(seed)
    ks = jax.random.split(key, 12)
    B, T, N = 4, 12, 500
    in_ft, h1, h2, of = 32, 32, 32, 32

    def w(k, shape):
        return jax.random.normal(k, shape, dtype=jnp.float32) * 0.05

    inp = {}
    inp['x'] = jax.random.normal(ks[0], (B, T, N, in_ft), dtype=jnp.float32)
    inp['e'] = jax.random.uniform(ks[1], (B, T, N, N, 1), dtype=jnp.float32)
    inp['fc_W'] = w(ks[2], (in_ft, h1)); inp['fc_b'] = jnp.zeros((h1,), dtype=jnp.float32)
    inp['W0'] = w(ks[3], (h1, h2)); inp['b0'] = jnp.zeros((h2,), dtype=jnp.float32)
    inp['W1'] = w(ks[4], (h2, h2)); inp['b1'] = jnp.zeros((h2,), dtype=jnp.float32)
    inp['Wr'] = w(ks[5], (h2, of)); inp['Ur'] = w(ks[6], (of, of)); inp['br'] = jnp.zeros((of,), dtype=jnp.float32)
    inp['Wu'] = w(ks[7], (h2, of)); inp['Uu'] = w(ks[8], (of, of)); inp['bu'] = jnp.zeros((of,), dtype=jnp.float32)
    inp['Wc'] = w(ks[9], (h2, of)); inp['Uc'] = w(ks[10], (of, of)); inp['bc'] = jnp.zeros((of,), dtype=jnp.float32)
    return inp


def reference(x, e, fc_W, fc_b, W0, b0, W1, b1, Wr, Ur, br, Wu, Uu, bu, Wc, Uc, bc):
    # x: [B, T, N, in_ft], e: [B, T, N, N, 1]
    x = jax.nn.relu(x @ fc_W + fc_b)  # [B, T, N, h1]
    B, T, N, _ = x.shape
    out_ft = Ur.shape[0]
    h = jnp.zeros((B, N, out_ft), dtype=jnp.float32)
    hs = []
    for i in range(T):
        x_i = x[:, i, :, :]            # [B, N, h1]
        A = e[:, i, :, :, 0]           # [B, N, N] dense time-varying edge weights
        # n_layer=2 edge-weighted graph conv layers (TemporalEGCN message passing)
        z = jax.nn.relu(jnp.einsum('bnm,bmf->bnf', A, x_i) @ W0 + b0)
        z = jax.nn.relu(jnp.einsum('bnm,bmf->bnf', A, z) @ W1 + b1)
        # GRU-style recurrent update on node states
        r = jax.nn.sigmoid(z @ Wr + h @ Ur + br)
        u = jax.nn.sigmoid(z @ Wu + h @ Uu + bu)
        c = jnp.tanh(z @ Wc + (r * h) @ Uc + bc)
        h = u * h + (1.0 - u) * c
        hs.append(h[:, None, :, :])
    out = jnp.concatenate(hs, axis=1)  # [B, T, N, out_ft]
    return out

if __name__ == "__main__":
    import jax
    _d = setup_inputs()
    print(jax.jit(kernel)(*tuple(_d.values())))

</pallas_src>

<mosaic_0001>
module attributes {stable_mosaic.version = 14 : i64} {
  func.func @_step(%arg0: i32, %arg1: i32, %arg2: memref<1x1x500x32xf32, #tpu.memory_space<vmem>>, %arg3: memref<1x1x500x500xf32, #tpu.memory_space<vmem>>, %arg4: memref<32x32xf32, #tpu.memory_space<vmem>>, %arg5: memref<1x32xf32, #tpu.memory_space<vmem>>, %arg6: memref<32x32xf32, #tpu.memory_space<vmem>>, %arg7: memref<1x32xf32, #tpu.memory_space<vmem>>, %arg8: memref<32x32xf32, #tpu.memory_space<vmem>>, %arg9: memref<1x32xf32, #tpu.memory_space<vmem>>, %arg10: memref<32x96xf32, #tpu.memory_space<vmem>>, %arg11: memref<1x96xf32, #tpu.memory_space<vmem>>, %arg12: memref<32x64xf32, #tpu.memory_space<vmem>>, %arg13: memref<32x32xf32, #tpu.memory_space<vmem>>, %arg14: memref<1x1x500x32xf32, #tpu.memory_space<vmem>>, %arg15: memref<4x500x32xf32, #tpu.memory_space<vmem>>) attributes {dimension_semantics = [#tpu.dimension_semantics<arbitrary>, #tpu.dimension_semantics<arbitrary>], iteration_bounds = array<i64: 12, 4>, scalar_prefetch = 0 : i64, scratch_operands = 1 : i64, tpu.core_type = #tpu.core_type<tc>, window_params = [{transform_indices = @transform_0, window_bounds = array<i64: 1, 1, 500, 32>}, {transform_indices = @transform_1, window_bounds = array<i64: 1, 1, 500, 500>}, {pipeline_mode = #tpu.pipeline_mode<synchronous>, transform_indices = @transform_2, window_bounds = array<i64: 32, 32>}, {pipeline_mode = #tpu.pipeline_mode<synchronous>, transform_indices = @transform_3, window_bounds = array<i64: 1, 32>}, {pipeline_mode = #tpu.pipeline_mode<synchronous>, transform_indices = @transform_4, window_bounds = array<i64: 32, 32>}, {pipeline_mode = #tpu.pipeline_mode<synchronous>, transform_indices = @transform_5, window_bounds = array<i64: 1, 32>}, {pipeline_mode = #tpu.pipeline_mode<synchronous>, transform_indices = @transform_6, window_bounds = array<i64: 32, 32>}, {pipeline_mode = #tpu.pipeline_mode<synchronous>, transform_indices = @transform_7, window_bounds = array<i64: 1, 32>}, {pipeline_mode = #tpu.pipeline_mode<synchronous>, transform_indices = @transform_8, window_bounds = array<i64: 32, 96>}, {pipeline_mode = #tpu.pipeline_mode<synchronous>, transform_indices = @transform_9, window_bounds = array<i64: 1, 96>}, {pipeline_mode = #tpu.pipeline_mode<synchronous>, transform_indices = @transform_10, window_bounds = array<i64: 32, 64>}, {pipeline_mode = #tpu.pipeline_mode<synchronous>, transform_indices = @transform_11, window_bounds = array<i64: 32, 32>}, {transform_indices = @transform_12, window_bounds = array<i64: 1, 1, 500, 32>}]} {
    %get3A = arith.constant 0 : index
    %get3A_0 = arith.constant 0 : index
    %get3A_1 = arith.constant 0 : index
    %get3A_2 = arith.constant 0 : index
    %get3A_3 = vector.load %arg3[%get3A, %get3A_0, %get3A_1, %get3A_2] : memref<1x1x500x500xf32, #tpu.memory_space<vmem>>, vector<1x1x500x500xf32>
    %get3A_4 = vector.shape_cast %get3A_3 : vector<1x1x500x500xf32> to vector<500x500xf32>
    %get3A_5 = arith.constant 0 : index
    %get3A_6 = arith.constant 0 : index
    %get3A_7 = arith.constant 0 : index
    %get3A_8 = arith.constant 0 : index
    %get3A_9 = vector.load %arg2[%get3A_5, %get3A_6, %get3A_7, %get3A_8] : memref<1x1x500x32xf32, #tpu.memory_space<vmem>>, vector<1x1x500x32xf32>
    %get3A_10 = vector.shape_cast %get3A_9 : vector<1x1x500x32xf32> to vector<500x32xf32>
    %get3A_11 = arith.constant 0 : index
    %get3A_12 = arith.constant 0 : index
    %get3A_13 = vector.load %arg4[%get3A_11, %get3A_12] : memref<32x32xf32, #tpu.memory_space<vmem>>, vector<32x32xf32>
    %dot_general3A = arith.constant dense<0.000000e+00> : vector<500x32xf32>
    %dot_general3A_14 = tpu.matmul %get3A_10, %get3A_13, %dot_general3A {dimension_numbers = #tpu.dot_dimension_numbers<[1], [0], [0], [1], [0, 0, 1, 1], [], []>, transpose_lhs_hint = false} : vector<500x32xf32>, vector<32x32xf32>, vector<500x32xf32> -> vector<500x32xf32>
    %get3A_15 = arith.constant 0 : index
    %get3A_16 = arith.constant 0 : index
    %get3A_17 = vector.load %arg5[%get3A_15, %get3A_16] : memref<1x32xf32, #tpu.memory_space<vmem>>, vector<1x32xf32>
    %add3A = vector.broadcast %get3A_17 : vector<1x32xf32> to vector<500x32xf32>
    %add3A_18 = arith.addf %dot_general3A_14, %add3A : vector<500x32xf32>
    %max3A = arith.constant 0.000000e+00 : f32
    %max3A_19 = vector.broadcast %max3A : f32 to vector<500x32xf32>
    %max3A_20 = arith.maximumf %add3A_18, %max3A_19 : vector<500x32xf32>
    %dot_general3A_21 = arith.constant dense<0.000000e+00> : vector<500x32xf32>
    %dot_general3A_22 = tpu.matmul %get3A_4, %max3A_20, %dot_general3A_21 {dimension_numbers = #tpu.dot_dimension_numbers<[1], [0], [0], [1], [0, 0, 1, 1], [], []>, transpose_lhs_hint = false} : vector<500x500xf32>, vector<500x32xf32>, vector<500x32xf32> -> vector<500x32xf32>
    %get3A_23 = arith.constant 0 : index
    %get3A_24 = arith.constant 0 : index
    %get3A_25 = vector.load %arg6[%get3A_23, %get3A_24] : memref<32x32xf32, #tpu.memory_space<vmem>>, vector<32x32xf32>
    %dot_general3A_26 = arith.constant dense<0.000000e+00> : vector<500x32xf32>
    %dot_general3A_27 = tpu.matmul %dot_general3A_22, %get3A_25, %dot_general3A_26 {dimension_numbers = #tpu.dot_dimension_numbers<[1], [0], [0], [1], [0, 0, 1, 1], [], []>, transpose_lhs_hint = false} : vector<500x32xf32>, vector<32x32xf32>, vector<500x32xf32> -> vector<500x32xf32>
    %get3A_28 = arith.constant 0 : index
    %get3A_29 = arith.constant 0 : index
    %get3A_30 = vector.load %arg7[%get3A_28, %get3A_29] : memref<1x32xf32, #tpu.memory_space<vmem>>, vector<1x32xf32>
    %add3A_31 = vector.broadcast %get3A_30 : vector<1x32xf32> to vector<500x32xf32>
    %add3A_32 = arith.addf %dot_general3A_27, %add3A_31 : vector<500x32xf32>
    %max3A_33 = arith.constant 0.000000e+00 : f32
    %max3A_34 = vector.broadcast %max3A_33 : f32 to vector<500x32xf32>
    %max3A_35 = arith.maximumf %add3A_32, %max3A_34 : vector<500x32xf32>
    %dot_general3A_36 = arith.constant dense<0.000000e+00> : vector<500x32xf32>
    %dot_general3A_37 = tpu.matmul %get3A_4, %max3A_35, %dot_general3A_36 {dimension_numbers = #tpu.dot_dimension_numbers<[1], [0], [0], [1], [0, 0, 1, 1], [], []>, transpose_lhs_hint = false} : vector<500x500xf32>, vector<500x32xf32>, vector<500x32xf32> -> vector<500x32xf32>
    %get3A_38 = arith.constant 0 : index
    %get3A_39 = arith.constant 0 : index
    %get3A_40 = vector.load %arg8[%get3A_38, %get3A_39] : memref<32x32xf32, #tpu.memory_space<vmem>>, vector<32x32xf32>
    %dot_general3A_41 = arith.constant dense<0.000000e+00> : vector<500x32xf32>
    %dot_general3A_42 = tpu.matmul %dot_general3A_37, %get3A_40, %dot_general3A_41 {dimension_numbers = #tpu.dot_dimension_numbers<[1], [0], [0], [1], [0, 0, 1, 1], [], []>, transpose_lhs_hint = false} : vector<500x32xf32>, vector<32x32xf32>, vector<500x32xf32> -> vector<500x32xf32>
    %get3A_43 = arith.constant 0 : index
    %get3A_44 = arith.constant 0 : index
    %get3A_45 = vector.load %arg9[%get3A_43, %get3A_44] : memref<1x32xf32, #tpu.memory_space<vmem>>, vector<1x32xf32>
    %add3A_46 = vector.broadcast %get3A_45 : vector<1x32xf32> to vector<500x32xf32>
    %add3A_47 = arith.addf %dot_general3A_42, %add3A_46 : vector<500x32xf32>
    %max3A_48 = arith.constant 0.000000e+00 : f32
    %max3A_49 = vector.broadcast %max3A_48 : f32 to vector<500x32xf32>
    %max3A_50 = arith.maximumf %add3A_47, %max3A_49 : vector<500x32xf32>
    %eq3A = arith.constant 0 : i32
    %eq3A_51 = arith.cmpi eq, %arg0, %eq3A : i32
    %get3A_52 = arith.index_cast %arg1 : i32 to index
    %get3A_53 = arith.constant 0 : index
    %get3A_54 = arith.constant 0 : index
    %get3A_55 = vector.load %arg15[%get3A_52, %get3A_53, %get3A_54] : memref<4x500x32xf32, #tpu.memory_space<vmem>>, vector<1x500x32xf32>
    %get3A_56 = vector.shape_cast %get3A_55 : vector<1x500x32xf32> to vector<500x32xf32>
    %jit3A = arith.constant 0.000000e+00 : f32
    %broadcast_in_dim3A = vector.broadcast %jit3A : f32 to vector<500x32xf32>
    %select_n3A = arith.select %eq3A_51, %broadcast_in_dim3A, %get3A_56 : vector<500x32xf32>
    %get3A_57 = arith.constant 0 : index
    %get3A_58 = arith.constant 0 : index
    %get3A_59 = vector.load %arg10[%get3A_57, %get3A_58] : memref<32x96xf32, #tpu.memory_space<vmem>>, vector<32x96xf32>
    %dot_general3A_60 = arith.constant dense<0.000000e+00> : vector<500x96xf32>
    %dot_general3A_61 = tpu.matmul %max3A_50, %get3A_59, %dot_general3A_60 {dimension_numbers = #tpu.dot_dimension_numbers<[1], [0], [0], [1], [0, 0, 1, 1], [], []>, transpose_lhs_hint = false} : vector<500x32xf32>, vector<32x96xf32>, vector<500x96xf32> -> vector<500x96xf32>
    %get3A_62 = arith.constant 0 : index
    %get3A_63 = arith.constant 0 : index
    %get3A_64 = vector.load %arg11[%get3A_62, %get3A_63] : memref<1x96xf32, #tpu.memory_space<vmem>>, vector<1x96xf32>
    %add3A_65 = vector.broadcast %get3A_64 : vector<1x96xf32> to vector<500x96xf32>
    %add3A_66 = arith.addf %dot_general3A_61, %add3A_65 : vector<500x96xf32>
    %slice3A = vector.extract_strided_slice %add3A_66 {offsets = [0, 0], sizes = [500, 64], strides = [1, 1]} : vector<500x96xf32> to vector<500x64xf32>
    %get3A_67 = arith.constant 0 : index
    %get3A_68 = arith.constant 0 : index
    %get3A_69 = vector.load %arg12[%get3A_67, %get3A_68] : memref<32x64xf32, #tpu.memory_space<vmem>>, vector<32x64xf32>
    %dot_general3A_70 = arith.constant dense<0.000000e+00> : vector<500x64xf32>
    %dot_general3A_71 = tpu.matmul %select_n3A, %get3A_69, %dot_general3A_70 {dimension_numbers = #tpu.dot_dimension_numbers<[1], [0], [0], [1], [0, 0, 1, 1], [], []>, transpose_lhs_hint = false} : vector<500x32xf32>, vector<32x64xf32>, vector<500x64xf32> -> vector<500x64xf32>
    %add3A_72 = arith.addf %slice3A, %dot_general3A_71 : vector<500x64xf32>
    %logistic3A = arith.negf %add3A_72 : vector<500x64xf32>
    %logistic3A_73 = math.exp %logistic3A : vector<500x64xf32>
    %logistic3A_74 = arith.constant 1.000000e+00 : f32
    %logistic3A_75 = vector.broadcast %logistic3A_74 : f32 to vector<500x64xf32>
    %logistic3A_76 = arith.addf %logistic3A_75, %logistic3A_73 : vector<500x64xf32>
    %logistic3A_77 = arith.divf %logistic3A_75, %logistic3A_76 : vector<500x64xf32>
    %slice3A_78 = vector.extract_strided_slice %logistic3A_77 {offsets = [0, 0], sizes = [500, 32], strides = [1, 1]} : vector<500x64xf32> to vector<500x32xf32>
    %slice3A_79 = vector.extract_strided_slice %logistic3A_77 {offsets = [0, 32], sizes = [500, 32], strides = [1, 1]} : vector<500x64xf32> to vector<500x32xf32>
    %slice3A_80 = vector.extract_strided_slice %add3A_66 {offsets = [0, 64], sizes = [500, 32], strides = [1, 1]} : vector<500x96xf32> to vector<500x32xf32>
    %mul3A = arith.mulf %slice3A_78, %select_n3A : vector<500x32xf32>
    %get3A_81 = arith.constant 0 : index
    %get3A_82 = arith.constant 0 : index
    %get3A_83 = vector.load %arg13[%get3A_81, %get3A_82] : memref<32x32xf32, #tpu.memory_space<vmem>>, vector<32x32xf32>
    %dot_general3A_84 = arith.constant dense<0.000000e+00> : vector<500x32xf32>
    %dot_general3A_85 = tpu.matmul %mul3A, %get3A_83, %dot_general3A_84 {dimension_numbers = #tpu.dot_dimension_numbers<[1], [0], [0], [1], [0, 0, 1, 1], [], []>, transpose_lhs_hint = false} : vector<500x32xf32>, vector<32x32xf32>, vector<500x32xf32> -> vector<500x32xf32>
    %add3A_86 = arith.addf %slice3A_80, %dot_general3A_85 : vector<500x32xf32>
    %tanh3A = math.tanh %add3A_86 : vector<500x32xf32>
    %mul3A_87 = arith.mulf %slice3A_79, %select_n3A : vector<500x32xf32>
    %sub3A = arith.constant 1.000000e+00 : f32
    %sub3A_88 = vector.broadcast %sub3A : f32 to vector<500x32xf32>
    %sub3A_89 = arith.subf %sub3A_88, %slice3A_79 : vector<500x32xf32>
    %mul3A_90 = arith.mulf %sub3A_89, %tanh3A : vector<500x32xf32>
    %add3A_91 = arith.addf %mul3A_87, %mul3A_90 : vector<500x32xf32>
    %swap3A = arith.index_cast %arg1 : i32 to index
    %swap3A_92 = arith.constant 0 : index
    %swap3A_93 = arith.constant 0 : index
    %swap3A_94 = vector.load %arg15[%swap3A, %swap3A_92, %swap3A_93] : memref<4x500x32xf32, #tpu.memory_space<vmem>>, vector<1x500x32xf32>
    %swap3A_95 = vector.shape_cast %swap3A_94 : vector<1x500x32xf32> to vector<500x32xf32>
    %swap3A_96 = vector.shape_cast %add3A_91 : vector<500x32xf32> to vector<1x500x32xf32>
    tpu.vector_store %arg15[%swap3A, %swap3A_92, %swap3A_93], %swap3A_96 {strides = array<i32>} : memref<4x500x32xf32, #tpu.memory_space<vmem>>, vector<1x500x32xf32>,
    %swap3A_97 = arith.constant 0 : index
    %swap3A_98 = arith.constant 0 : index
    %swap3A_99 = arith.constant 0 : index
    %swap3A_100 = arith.constant 0 : index
    %swap3A_101 = vector.load %arg14[%swap3A_97, %swap3A_98, %swap3A_99, %swap3A_100] : memref<1x1x500x32xf32, #tpu.memory_space<vmem>>, vector<1x1x500x32xf32>
    %swap3A_102 = vector.shape_cast %swap3A_101 : vector<1x1x500x32xf32> to vector<500x32xf32>
    %swap3A_103 = vector.shape_cast %add3A_91 : vector<500x32xf32> to vector<1x1x500x32xf32>
    tpu.vector_store %arg14[%swap3A_97, %swap3A_98, %swap3A_99, %swap3A_100], %swap3A_103 {strides = array<i32>} : memref<1x1x500x32xf32, #tpu.memory_space<vmem>>, vector<1x1x500x32xf32>,
    return
  }
  func.func @transform_0(%arg0: i32, %arg1: i32) -> (i32, i32, i32, i32) {
    %c0_i32 = arith.constant 0 : i32
    %c0_i32_0 = arith.constant 0 : i32
    %c0_i32_1 = arith.constant 0 : i32
    return %arg1, %arg0, %c0_i32, %c0_i32_0 : i32, i32, i32, i32
  }
  func.func @transform_1(%arg0: i32, %arg1: i32) -> (i32, i32, i32, i32) {
    %c0_i32 = arith.constant 0 : i32
    %c0_i32_0 = arith.constant 0 : i32
    %c0_i32_1 = arith.constant 0 : i32
    return %arg1, %arg0, %c0_i32, %c0_i32_0 : i32, i32, i32, i32
  }
  func.func @transform_2(%arg0: i32, %arg1: i32) -> (i32, i32) {
    %c0_i32 = arith.constant 0 : i32
    %c0_i32_0 = arith.constant 0 : i32
    %c0_i32_1 = arith.constant 0 : i32
    return %c0_i32, %c0_i32_0 : i32, i32
  }
  func.func @transform_3(%arg0: i32, %arg1: i32) -> (i32, i32) {
    %c0_i32 = arith.constant 0 : i32
    %c0_i32_0 = arith.constant 0 : i32
    %c0_i32_1 = arith.constant 0 : i32
    return %c0_i32, %c0_i32_0 : i32, i32
  }
  func.func @transform_4(%arg0: i32, %arg1: i32) -> (i32, i32) {
    %c0_i32 = arith.constant 0 : i32
    %c0_i32_0 = arith.constant 0 : i32
    %c0_i32_1 = arith.constant 0 : i32
    return %c0_i32, %c0_i32_0 : i32, i32
  }
  func.func @transform_5(%arg0: i32, %arg1: i32) -> (i32, i32) {
    %c0_i32 = arith.constant 0 : i32
    %c0_i32_0 = arith.constant 0 : i32
    %c0_i32_1 = arith.constant 0 : i32
    return %c0_i32, %c0_i32_0 : i32, i32
  }
  func.func @transform_6(%arg0: i32, %arg1: i32) -> (i32, i32) {
    %c0_i32 = arith.constant 0 : i32
    %c0_i32_0 = arith.constant 0 : i32
    %c0_i32_1 = arith.constant 0 : i32
    return %c0_i32, %c0_i32_0 : i32, i32
  }
  func.func @transform_7(%arg0: i32, %arg1: i32) -> (i32, i32) {
    %c0_i32 = arith.constant 0 : i32
    %c0_i32_0 = arith.constant 0 : i32
    %c0_i32_1 = arith.constant 0 : i32
    return %c0_i32, %c0_i32_0 : i32, i32
  }
  func.func @transform_8(%arg0: i32, %arg1: i32) -> (i32, i32) {
    %c0_i32 = arith.constant 0 : i32
    %c0_i32_0 = arith.constant 0 : i32
    %c0_i32_1 = arith.constant 0 : i32
    return %c0_i32, %c0_i32_0 : i32, i32
  }
  func.func @transform_9(%arg0: i32, %arg1: i32) -> (i32, i32) {
    %c0_i32 = arith.constant 0 : i32
    %c0_i32_0 = arith.constant 0 : i32
    %c0_i32_1 = arith.constant 0 : i32
    return %c0_i32, %c0_i32_0 : i32, i32
  }
  func.func @transform_10(%arg0: i32, %arg1: i32) -> (i32, i32) {
    %c0_i32 = arith.constant 0 : i32
    %c0_i32_0 = arith.constant 0 : i32
    %c0_i32_1 = arith.constant 0 : i32
    return %c0_i32, %c0_i32_0 : i32, i32
  }
  func.func @transform_11(%arg0: i32, %arg1: i32) -> (i32, i32) {
    %c0_i32 = arith.constant 0 : i32
    %c0_i32_0 = arith.constant 0 : i32
    %c0_i32_1 = arith.constant 0 : i32
    return %c0_i32, %c0_i32_0 : i32, i32
  }
  func.func @transform_12(%arg0: i32, %arg1: i32) -> (i32, i32, i32, i32) {
    %c0_i32 = arith.constant 0 : i32
    %c0_i32_0 = arith.constant 0 : i32
    %c0_i32_1 = arith.constant 0 : i32
    return %arg1, %arg0, %c0_i32, %c0_i32_0 : i32, i32, i32, i32
  }
}

</mosaic_0001>

<sc_bundles>
// kernel: sparse-core-data-format-call.cloned.1.call-start
scs
called_computation_lowered:
.L_overlay_start_0:
0x0: {  	s2 =	sld [smem:$0x3FD9]  }
0x1: {  	s3 =	sld [smem:$0x3FFE];
	_ =	sdelay $0x1  }
0x2: {  	s1 =	srdreg.scid  }
0x3: {  	s0 =	sand.u32 $0x1, s1  }
0x4: {  	s18 =	sshll.u32 s0, $0xA;
	s2 =	sadd.s32 s3, s2  }
0x5: {  	s2 =	sadd.s32 s2, s18  }
0x6: {  	[smem:$0x3FB7] =	sst s2  }
0x7: {  	_ = 	snop  }
0x8: {  	s2 =	sld [smem:$0x3FC8];
	(tm) =	ssettm $0x1  }
0x9: {  	s19 =	sld [smem:$0x3FFB];
	_ =	sdelay $0x3  }
0xa: {  	_ =	strace s19  }
0xb: {  	s3 =	sld [smem:$0x3FFC];
	_ =	sdelay $0x3  }
0xc: {  	_ =	strace s3  }
0xd: {  	s3 =	sld [smem:$0x3FFD];
	_ =	sdelay $0x3  }
0xe: {  	_ =	strace s3  }
0xf: {  	_ =	strace $0x8FFFFFFF  }
0x10: {  	s20 =	sld [smem:$0x3FDB];
	_ =	sdelay $0x1  }
0x11: {  	s4 =	simm.s32 $_scs_section_size  }
0x12: {  	s5 =	simm.s32 $_size__tile_overlayer_lowered;
	s6 =	simm.s32 $_tile_overlayer_lowered  }
0x13: {  	s23 =	simm.s32 $0x1BFF;
	s22 =	sshll.u32 s6, $0x1;
	s3 =	sadd.s32 s4, s20  }
0x14: {  	s7 =	simm.s32 $0x0;
	s21 =	sshll.u32 s5, $0x1;
	s5 =	sadd.s32 s22, s3  }
0x15: {  	[timem:s7], [sflag:s23] =	dma.local [hbm:s5], s21  }
0x16: {  	_ =	swait.ge [sflag:s23], s21  }
0x17: {  	s4 =	ssub.s32 $0x0, s21;
	[sflag:s23] =	ssyncset.done $0x0  }
0x18: {  	[sflag:s23] =	ssyncadd.s32 s4;
	_ =	sdelay $0x1  }
0x19: {  	s24 =	simm.s32 $0x1B8B  }
0x1a: {  	_ =	swait.ge [sflag:s24], $0x1  }
0x1b: {  	[sflag:s24] =	ssyncset.done $0x0  }
0x1c: {  	s26 =	simm.s32 $0x1B8E;
	s25 =	sld [smem:$0x3FFE];
	[sflag:s24] =	ssyncadd.s32 $0xFFFFFFFF  }
0x1d: {  	s27 =	simm.s32 $execute0_lowered;
	[smem:$0x3FD2] =	sst s26  }
0x1e: {  	s5 =	sshll.u32 s27, $0x1;
	_ =	strace $0x80000046;
	[dreg:$0x1] =	wrdreg $0xFFFFFFFF  }
0x1f: {  	s28 =	simm.s32 $_size_execute0_lowered;
	s3 =	sadd.s32 s3, s5;
	[dreg:$0x0] =	wrdreg $0x0  }
0x20: {  	s5 =	sshll.u32 s28, $0x1;
	[dreg:$0x2] =	wrdreg s3  }
0x21: {  	[dreg:$0x3] =	wrdreg s5  }
0x22: {  	[dreg:$0x4] =	wrdreg $0xC0  }
0x23: {  	_ =	task [dreg:s7], $0x5FFFF  }
0x24: {  	[dreg:$0x1] =	wrdreg $0xFFFFFFFF  }
0x25: {  	[dreg:$0x0] =	wrdreg $0x60  }
0x26: {  	[dreg:$0x2] =	wrdreg s2  }
0x27: {  	[dreg:$0x3] =	wrdreg s25  }
0x28: {  	[dreg:$0x4] =	wrdreg $0x9  }
0x29: {  	_ =	task.clear_ibuf [dreg:s7], $0x5FFFF;
	_ =	strace $0x90000046  }
0x2a: {  	s29 =	simm.s32 $0x9;
	_ =	strace $0x80000048  }
0x2b: {  	_ =	swait.ge [sflag:s29], $0x1  }
0x2c: {  	[sflag:s29] =	ssyncadd.s32 $0xFFFFFFFF  }
0x2d: {  	_ =	strace $0x90000048  }
0x2e: {  	_ =	sfence  }
0x2f: {  	s30 =	sld [smem:$0x0];
	_ =	sdelay $0x2  }
0x30: {  	s31 =	sshll.u32 s1, $0xD;
	s1 =	sshrl.u32 s1, $0x2  }
0x31: {  	s3 =	sand.u32 $0x4000, s31;
	s1 =	sadd.s32 s1, s30  }
0x32: {  	s0 =	sor.u32 s3, s0;
	s1 =	sshll.u32 s1, $0x11  }
0x33: {  	s0 =	sor.u32 s1, s0  }
0x34: {  	s0 =	sadd.s32 $0x8F2B, s0  }
0x35: {  	[sflag:s0] =	ssyncadd.remote.s32 $0x1  }
0x36: {  	_ =	sfence.sel $0xFFFF  }
0x37: {  	[dreg:$0x0] =	wrdreg $0xFFFFFFFF;
	(pc) =	sbr.abs _section_cstart, $3  }
0x38: {  	[dreg:$0x1] =	wrdreg $0xFFFFFFFF  }
0x39: {  	_ =	task.clear_ibuf [dreg:s7], $0x2FFFF;
	_ =	strace $0x9FFFFFFF  }
0x3a: {  	(tm) =	ssettm $0x7FFFFFFF  }
0x3b: {  	_ =	shalt  }
tec
execute0_lowered:
.L_overlay_start_1:
0x0: {  	(tag) =	ssettag $0x1  }
0x1: {  	s6 =	rddreg [dreg:$0x0]  }
0x2: {  	s0 =	rddreg [dreg:$0x1];
	_ =	strace $0x80000047  }
0x3: {  	s1 =	stileid.u32;
	s30 =	srdreg.scid;
	s2 =	simm.s32 $0x1  }
0x4: {  	s31 =	simm.s32 $0x2;
	p0 =	por $0x0, $0x0;
	s15 =	simm.s32 $0x0  }
0x5: {  	s16 =	simm.s32 $0x0;
	s17 =	simm.s32 $0x0;
	s8 =	simm.s32 $0x0  }
0x6: {  	s10 =	simm.s32 $0x0;
	s11 =	simm.s32 $0x0;
	s13 =	simm.s32 $0x0  }
.Ltmp0:
0x7: {  	s0 =	sadd.s32 $0x2400, s0;
	s19 =	sand.u32 $0x3, s1;
	(pc) =	sbr.rel .LBB1_1-.Ltmp0, $4  }
0x8: {  	s1 =	sshll.u32 s1, $0x3;
	[dreg:$0x3] =	wrdreg s0;
	s0 =	sshll.u32 s30, $0x7  }
0x9: {  	s9 =	simm.s32 $0x0;
	[sflag:s2] =	ssyncpa.u1 $0x0;
	s0 =	sor.u32 s1, s0  }
0xa: {  	[sflag:s31] =	ssyncpa.u1 $0x0;
	[dreg:$0x4] =	wrdreg s19;
	s20 =	sand.u32 $0xE0, s0  }
0xb: {  	s14 =	smov.u32 s19;
	s12 =	smov.u32 s20;
	[dreg:$0x5] =	wrdreg s20  }
.LBB1_12:
0xc: {  	s0 =	sshll.u32 s8, $0x9;
	s1 =	sshll.u32 s8, $0x7  }
0xd: {  	s0 =	sand.u32 $0xFFFFF000, s0;
	s1 =	sand.u32 $0x200, s1  }
0xe: {  	p1 =	sgt.s32 s8, $0x1D8;
	s0 =	sor.u32 s1, s0  }
0xf: {  	s2 =	smov.u32 s8;
	s3 =	smul.u32 $0x5E800, s11;
	s0 =	sshrl.u32 s0, $0x9  }
0x10: {  	s2 =	simm.s32 @!p1 $0x1D8;
	s27 =	smulhi.u32 $0x820821, s0  }
0x11: {  	s29 =	smul.u32 $0x7E00, s10;
	s2 =	sadd.s32 s19, s2  }
0x12: {  	s4 =	sshll.u32 s8, $0x4;
	s2 =	sadd.s32 $0xFFFFFE28, s2;
	s1 =	smul.u32 $0x1F8, s27  }
0x13: {  	s5 =	rddreg [dreg:$0x3];
	s30 =	sor.u32 $0x8000, s20;
	s28 =	sshll.u32 s2, $0x9  }
0x14: {  	p1 =	sgt.s32 s2, $0x1F;
	s0 =	ssub.s32 s0, s1;
	s1 =	ssub.s32 $0x4000, s28  }
0x15: {  	s31 =	simm.s32 $0x0;
	s3 =	sadd.s32 s5, s3;
	s1 =	simm.s32 @p1 $0x0  }
0x16: {  	s4 =	sand.u32 $0x30, s4;
	s2 =	sadd.s32 s29, s3;
	s1 =	smul.u32 s18, s1  }
0x17: {  	s20 =	rddreg [dreg:$0x5];
	s2 =	sadd.s32 s4, s2;
	s0 =	sshll.u32 s0, $0x6  }
0x18: {  	s19 =	rddreg [dreg:$0x4];
	s0 =	sadd.s32 s0, s2;
	s1 =	sand.u32 $0x3FFFFE00, s1  }
0x19: {  	[hbm4b:s0+s31] =	stream.linear.scatter [tilespmem:s30], [sflag:$0x2], s1, $0x38;
	[tilespmem:$0x10000] =	vst v63  }
.LBB1_13:
0x1a: {  	p1 =	slt.u32 s9, $0x2;
	s0 =	smov.u32 s17  }
0x1b: {  	p2 =	sgt.s32 @!p1 s17, $0x3;
	s1 =	sshra.s32 @!p1 s17, $0x1F;
	s2 =	sshra.s32 @!p1 s16, $0x1F  }
0x1c: {  	p3 =	sgt.s32 @!p1 s15, $0x1D8;
	s4 =	sshra.s32 @!p1 s15, $0x1F;
	p2 =	por !p2, p1  }
0x1d: {  	s1 =	sand.u32 @!p1 s1, s17;
	s0 =	simm.s32 @p2 $0x3;
	p2 =	sgt.s32 @!p1 s16, $0xB  }
0x1e: {  	s0 =	ssub.s32 @!p1 s0, s1;
	p2 =	por !p2, p1;
	s1 =	smov.u32 s16  }
0x1f: {  	s2 =	sand.u32 @!p1 s2, s16;
	s0 =	sadd.s32 @!p1 $0xFFFFFFFD, s0;
	s1 =	simm.s32 @p2 $0xB  }
0x20: {  	p3 =	por !p3, p1;
	p2 =	sgt.s32 @!p1 s0, $0x0;
	s1 =	ssub.s32 @!p1 s1, s2  }
0x21: {  	s2 =	smov.u32 s15;
	s0 =	sshll.u32 @!p1 s0, $0x9;
	s3 =	sadd.s32 @!p1 $0xFFFFFFF5, s1  }
0x22: {  	s2 =	simm.s32 @p3 $0x1D8;
	p3 =	sgt.s32 @!p1 s3, $0x0;
	s3 =	sand.u32 @!p1 s4, s15  }
0x23: {  	s1 =	ssub.s32 @!p1 $0xC, s1;
	s0 =	ssub.s32 @!p1 $0x200, s0;
	s2 =	ssub.s32 @!p1 s2, s3  }
0x24: {  	p2 =	por !p2, p1;
	p3 =	por !p3, p1;
	s3 =	sadd.s32 @!p1 $0xFFFFFE28, s2  }
0x25: {  	s0 =	simm.s32 @!p2 $0x0;
	s1 =	simm.s32 @!p3 $0x0;
	p3 =	sgt.s32 @!p1 s3, $0x1F  }
0x26: {  	s2 =	ssub.s32 @!p1 $0x1F8, s2;
	s0 =	smul.u32 @!p1 s1, s0;
	p2 =	por !p3, p1  }
0x27: {  	s1 =	sadd.s32 $0x100, s12;
	s2 =	simm.s32 @!p2 $0x0  }
0x28: {  	p2 =	sgt.s32 s1, $0x1F3;
	s0 =	smul.u32 @!p1 s2, s0;
	s2 =	simm.s32 $0x1  }
0x29: {  	s2 =	simm.s32 @!p2 $0x0  }
0x2a: {  	s2 =	sadd.s32 s2, s13  }
0x2b: {  	s5 =	smov.u32 s14;
	s4 =	sadd.s32 $0x4, s14;
	p3 =	sgt.s32 s2, $0xB  }
0x2c: {  	s9 =	sadd.s32 $0x1, s9;
	p0 =	por !p0, !p0;
	s5 =	smov.u32 @p3 s4  }
0x2d: {  	s17 =	smov.u32 s11;
	s1 =	smov.u32 @p2 s20;
	p2 =	sgt.s32 s5, $0x3  }
0x2e: {  	s11 =	smov.u32 s14;
	s5 =	smov.u32 @p2 s19;
	p2 =	sne.s32 s9, $0x1A  }
.Ltmp1:
0x2f: {  	s16 =	smov.u32 s10;
	s10 =	smov.u32 s13;
	(pc) =	sbr.rel @!p2 .LBB1_14-.Ltmp1, $4  }
0x30: {  	s15 =	smov.u32 s8;
	s3 =	simm.s32 @!p1 $0x2;
	s0 =	sand.u32 @!p1 $0x3FFFFE00, s0  }
0x31: {  	s8 =	smov.u32 s12;
	s12 =	smov.u32 s1;
	_ =	swait.ge @!p1 [sflag:s3], s0  }
0x32: {  	s0 =	ssub.s32 @!p1 $0x0, s0;
	[sflag:s3] =	ssyncset.done @!p1 $0x0;
	s2 =	simm.s32 @p3 $0x0  }
0x33: {  	[sflag:s3] =	ssyncadd.s32 @!p1 s0;
	s13 =	smov.u32 s2;
	s14 =	smov.u32 s5  }
.LBB1_1:
0x34: {  	p1 =	sgt.u32 s9, $0x17  }
0x35: {  	s0 =	smov.u32 s14;
	p2 =	sgt.s32 @!p1 s14, $0x3;
	s1 =	sshra.s32 @!p1 s14, $0x1F  }
0x36: {  	s2 =	sshra.s32 @!p1 s13, $0x1F;
	p2 =	por !p2, p1;
	s1 =	sand.u32 @!p1 s1, s14  }
0x37: {  	s2 =	sand.u32 @!p1 s2, s13;
	s0 =	simm.s32 @p2 $0x3;
	p2 =	sgt.s32 @!p1 s13, $0xB  }
0x38: {  	s0 =	ssub.s32 @!p1 s0, s1;
	p2 =	por !p2, p1;
	s1 =	smov.u32 s13  }
0x39: {  	s1 =	simm.s32 @p2 $0xB;
	p2 =	sgt.s32 @!p1 s12, $0x1D4;
	s0 =	sadd.s32 @!p1 $0xFFFFFFFD, s0  }
0x3a: {  	s1 =	ssub.s32 @!p1 s1, s2;
	p2 =	por !p2, p1;
	s2 =	smov.u32 s12  }
0x3b: {  	p3 =	sgt.s32 @!p1 s0, $0x0;
	s0 =	sshll.u32 @!p1 s0, $0x9;
	s7 =	sadd.s32 @!p1 $0xFFFFFFF5, s1  }
0x3c: {  	s2 =	simm.s32 @p2 $0x1D4;
	p2 =	sgt.s32 @!p1 s7, $0x0;
	s7 =	sshra.s32 @!p1 s12, $0x1F  }
0x3d: {  	s1 =	ssub.s32 @!p1 $0xC, s1;
	s0 =	ssub.s32 @!p1 $0x200, s0;
	s7 =	sand.u32 @!p1 s7, s12  }
0x3e: {  	p3 =	por !p3, p1;
	p2 =	por !p2, p1;
	s2 =	ssub.s32 @!p1 s2, s7  }
0x3f: {  	s0 =	simm.s32 @!p3 $0x0;
	s1 =	simm.s32 @!p2 $0x0;
	s7 =	sadd.s32 @!p1 $0xFFFFFE2C, s2  }
0x40: {  	s0 =	smul.u32 @!p1 s1, s0;
	p2 =	sgt.s32 @!p1 s7, $0x1F  }
0x41: {  	s1 =	ssub.s32 @!p1 $0x1F4, s2;
	s2 =	smul.u32 @!p1 $0x5DC00, s14;
	p2 =	por !p2, p1  }
0x42: {  	s18 =	smul.u32 @!p1 $0x7D00, s13;
	s7 =	sxor.u32 @!p1 $0xFFFFFFFF, s9;
	s1 =	simm.s32 @!p2 $0x0  }
0x43: {  	s7 =	sshll.u32 @!p1 s7, $0xE;
	s0 =	smul.u32 @!p1 s1, s0;
	s1 =	sadd.s32 @!p1 s6, s2  }
0x44: {  	s2 =	sand.u32 @!p1 $0x4000, s7;
	s7 =	sshll.u32 @!p1 s12, $0x6;
	s1 =	sadd.s32 @!p1 s18, s1  }
0x45: {  	s0 =	sand.u32 @!p1 $0x3FFFFE00, s0;
	s1 =	sadd.s32 @!p1 s7, s1;
	s7 =	simm.s32 @!p1 $0x0  }
0x46: {  	[tilespmem:s2], [sflag:$0x1] =	stream.linear.gather @!p1 [hbm4b:s1+s7], s0, $0x38;
	[tilespmem:$0x10000] =	vst v63  }
0x47: {  	p1 =	seq.s32 s9, $0x0  }
0x48: {  	p2 =	seq.s32 @!p1 s9, $0x19  }
0x49: {  	p1 =	por p1, p2  }
.Ltmp2:
0x4a: {  	_ = 	snop;
	(pc) =	sbr.rel @p1 .LBB1_13-.Ltmp2, $1  }
0x4b: {  	_ =	sdelay $0x3  }
0x4c: {  	p1 =	sgt.s32 s11, $0x3;
	s0 =	smov.u32 s11;
	s1 =	sshra.s32 s11, $0x1F  }
0x4d: {  	s2 =	sshra.s32 s10, $0x1F;
	s26 =	ssub.s32 $0x0, s8;
	s27 =	sshra.s32 s8, $0x1F  }
0x4e: {  	p2 =	sgt.s32 s8, $0x1D4;
	s18 =	smov.u32 s8;
	s0 =	simm.s32 @!p1 $0x3  }
0x4f: {  	s1 =	sand.u32 s1, s11;
	p1 =	sgt.s32 s10, $0xB;
	s2 =	sand.u32 s2, s10  }
0x50: {  	s19 =	sand.u32 s26, s27;
	s0 =	ssub.s32 s0, s1;
	s1 =	smov.u32 s10  }
0x51: {  	s18 =	simm.s32 @!p2 $0x1D4;
	s7 =	sadd.s32 $0xFFFFFFFD, s0;
	s1 =	simm.s32 @!p1 $0xB  }
0x52: {  	s0 =	ssub.s32 $0x4, s0;
	p1 =	sgt.s32 s7, $0x0;
	s1 =	ssub.s32 s1, s2  }
0x53: {  	s2 =	sadd.s32 s19, s18;
	s20 =	sadd.s32 $0xFFFFFFF5, s1;
	s1 =	ssub.s32 $0xC, s1  }
0x54: {  	s0 =	simm.s32 @p1 $0x0;
	s2 =	sadd.s32 $0xFFFFFE2C, s2;
	p2 =	sgt.s32 s20, $0x0  }
0x55: {  	s28 =	sshll.u32 s2, $0x9;
	p1 =	sgt.s32 s2, $0x1F;
	s1 =	simm.s32 @p2 $0x0  }
0x56: {  	s18 =	smul.u32 s0, s1;
	s0 =	ssub.s32 $0x4000, s28;
	s1 =	sadd.s32 $0x1, s11  }
0x57: {  	s2 =	sadd.s32 $0x1, s10;
	s0 =	simm.s32 @p1 $0x0;
	p1 =	slt.s32 s1, $0x4  }
0x58: {  	s1 =	simm.s32 @!p1 $0x4;
	p1 =	slt.s32 s2, $0xC  }
0x59: {  	s21 =	ssub.s32 s1, s11;
	s2 =	simm.s32 @!p1 $0xC;
	s1 =	sadd.s32 $0x20, s8  }
0x5a: {  	s22 =	ssub.s32 s2, s10;
	p2 =	slt.s32 s1, $0x1F4;
	p1 =	slt.s32 s21, $0x1  }
0x5b: {  	s1 =	simm.s32 @!p2 $0x1F4;
	p2 =	slt.s32 @!p1 s22, $0x1  }
0x5c: {  	s23 =	ssub.s32 s1, s8;
	p2 =	por p1, p2  }
0x5d: {  	p3 =	slt.s32 @!p2 s23, $0x1  }
0x5e: {  	s0 =	smul.u32 s18, s0;
	p2 =	por p2, p3  }
.Ltmp3:
0x5f: {  	_ = 	snop;
	(pc) =	sbr.rel @p2 .LBB1_12-.Ltmp3, $4  }
0x60: {  	s30 =	simm.s32 $0x1;
	s0 =	sand.u32 $0x3FFFFE00, s0  }
0x61: {  	_ =	swait.ge [sflag:s30], s0  }
0x62: {  	s31 =	sshll.u32 s9, $0xE;
	s29 =	ssub.s32 $0x0, s0;
	[sflag:s30] =	ssyncset.done $0x0  }
0x63: {  	s20 =	sand.u32 $0x4000, s31;
	[sflag:s30] =	ssyncadd.s32 s29  }
.Ltmp4:
0x64: {  	(pc) =	sbr.rel .LBB1_4-.Ltmp4, $4  }
0x65: {  	s0 =	simm.s32 $0x1  }
0x66: {  	s0 =	simm.s32 @!p0 $0x0  }
0x67: {  	s0 =	sshll.u32 s0, $0xE  }
0x68: {  	s25 =	sor.u32 @!p1 $0x8000, s20;
	s26 =	simm.s32 $0x0;
	s24 =	sor.u32 $0x100, s0  }
.LBB1_11:
0x69: {  	s26 =	sadd.s32 $0x1, s26  }
0x6a: {  	p1 =	sne.s32 s26, s21  }
.Ltmp5:
0x6b: {  	_ = 	snop;
	(pc) =	sbr.rel @!p1 .LBB1_12-.Ltmp5, $2  }
0x6c: {  	_ =	sdelay $0x2  }
0x6d: {  	s24 =	sadd.s32 $0x4000, s24  }
.LBB1_4:
0x6e: {  	s27 =	smov.u32 s24;
	s28 =	simm.s32 $0x0  }
.LBB1_5:
0x6f: {  	s0 =	sadd.s32 s26, s28  }
0x70: {  	s0 =	sshll.u32 s0, $0xE  }
0x71: {  	p2 =	sne.s32 s23, $0x1;
	s1 =	sadd.s32 s0, s25  }
.Ltmp6:
0x72: {  	v0 =	vmov s1;
	(pc) =	sbr.rel @!p2 .LBB1_6-.Ltmp6, $3  }
0x73: {  	_ =	sdelay $0x1  }
0x74: {  	v1 =	vmov s0  }
0x75: {  	s29 =	simm.s32 $0x0;
	v2 =	vld [tilespmem:s27+$0xF0];
	p1 =	por $0x0, $0x0;
	s1 =	sadd.s32 $0xFFFFFFFF, s23  }
0x76: {  	v3 =	vld [tilespmem:s27+$0xFFFFFF10]  }
0x77: {  	s0 =	sand.u32 $0xFFFFF000, s29;
	s2 =	sand.u32 $0x380, s29;
	v4 =	vld [tilespmem:s27+$0xFFFFFF20]  }
0x78: {  	v5 =	vld [tilespmem:s27+$0xFFFFFF30];
	s0 =	sor.u32 s2, s0  }
0x79: {  	v6 =	vld [tilespmem:s27+$0xFFFFFF40];
	s2 =	sand.u32 $0x3200, s0  }
0x7a: {  	s7 =	sand.u32 $0x180, s29;
	v7 =	vld [tilespmem:s27+$0xFFFFFF50];
	s30 =	sand.u32 $0x3380, s0;
	s5 =	sadd.s32 s2, s25  }
0x7b: {  	v8 =	vld [tilespmem:s27+$0x70];
	[tilespmem:v0+s30+$0xC70 ss:$0x1] =	vst.idx.msk $0xffff, v2;
	s0 =	sadd.s32 s7, s5  }
0x7c: {  	v9 =	vld [tilespmem:s27+$0x90];
	[tilespmem:v1+s0+$0x10 ss:$0x1] =	vst.idx.msk $0xffff, v3  }
0x7d: {  	v10 =	vld [tilespmem:s27+$0xA0];
	[tilespmem:v1+s0+$0x20 ss:$0x1] =	vst.idx.msk $0xffff, v4  }
0x7e: {  	v2 =	vld [tilespmem:s27+$0xFFFFFF60];
	[tilespmem:v1+s0+$0x30 ss:$0x1] =	vst.idx.msk $0xffff, v5  }
0x7f: {  	v3 =	vld [tilespmem:s27+$0xFFFFFF70];
	[tilespmem:v1+s0+$0x40 ss:$0x1] =	vst.idx.msk $0xffff, v6  }
0x80: {  	v4 =	vld [tilespmem:s27+$0xFFFFFF80];
	[tilespmem:v1+s0+$0x50 ss:$0x1] =	vst.idx.msk $0xffff, v7  }
0x81: {  	v5 =	vld [tilespmem:s27+$0xFFFFFF90];
	[tilespmem:v0+s30+$0x870 ss:$0x1] =	vst.idx.msk $0xffff, v8  }
0x82: {  	v6 =	vld [tilespmem:s27+$0xFFFFFFA0];
	[tilespmem:v0+s30+$0xC10 ss:$0x1] =	vst.idx.msk $0xffff, v9  }
0x83: {  	v7 =	vld [tilespmem:s27+$0xFFFFFFB0];
	[tilespmem:v0+s30+$0xC20 ss:$0x1] =	vst.idx.msk $0xffff, v10  }
0x84: {  	[tilespmem:v1+s0+$0x60 ss:$0x1] =	vst.idx.msk $0xffff, v2;
	v2 =	vld [tilespmem:s27+$0xFFFFFFC0]  }
0x85: {  	[tilespmem:v1+s0+$0x70 ss:$0x1] =	vst.idx.msk $0xffff, v3;
	v3 =	vld [tilespmem:s27+$0xFFFFFFD0]  }
0x86: {  	[tilespmem:v1+s0+$0x400 ss:$0x1] =	vst.idx.msk $0xffff, v4;
	v4 =	vld [tilespmem:s27+$0xFFFFFFE0]  }
0x87: {  	[tilespmem:v0+s30+$0x410 ss:$0x1] =	vst.idx.msk $0xffff, v5;
	v5 =	vld [tilespmem:s27+$0xFFFFFFF0]  }
0x88: {  	[tilespmem:v0+s30+$0x420 ss:$0x1] =	vst.idx.msk $0xffff, v6;
	v6 =	vld [tilespmem:s27+$0x0]  }
0x89: {  	[tilespmem:v0+s30+$0x430 ss:$0x1] =	vst.idx.msk $0xffff, v7;
	v7 =	vld [tilespmem:s27+$0x10]  }
0x8a: {  	[tilespmem:v0+s30+$0x440 ss:$0x1] =	vst.idx.msk $0xffff, v2;
	v2 =	vld [tilespmem:s27+$0x20]  }
0x8b: {  	[tilespmem:v0+s30+$0x450 ss:$0x1] =	vst.idx.msk $0xffff, v3;
	v3 =	vld [tilespmem:s27+$0x30]  }
0x8c: {  	[tilespmem:v0+s30+$0x470 ss:$0x1] =	vst.idx.msk $0xffff, v5;
	v5 =	vld [tilespmem:s27+$0x50]  }
0x8d: {  	[tilespmem:v0+s30+$0x460 ss:$0x1] =	vst.idx.msk $0xffff, v4;
	v4 =	vld [tilespmem:s27+$0x40]  }
0x8e: {  	[tilespmem:v1+s0+$0x800 ss:$0x1] =	vst.idx.msk $0xffff, v6;
	v6 =	vld [tilespmem:s27+$0x60]  }
0x8f: {  	[tilespmem:v0+s30+$0x810 ss:$0x1] =	vst.idx.msk $0xffff, v7;
	v7 =	vld [tilespmem:s27+$0xB0]  }
0x90: {  	p2 =	sne.s32 s1, $0x1;
	[tilespmem:v0+s30+$0x820 ss:$0x1] =	vst.idx.msk $0xffff, v2;
	v2 =	vld [tilespmem:s27+$0x80]  }
.Ltmp7:
0x91: {  	[tilespmem:v0+s30+$0x850 ss:$0x1] =	vst.idx.msk $0xffff, v5;
	v5 =	vld [tilespmem:s27+$0xC0];
	(pc) =	sbr.rel @!p2 .LBB1_8-.Ltmp7, $4  }
0x92: {  	[tilespmem:v0+s30+$0x840 ss:$0x1] =	vst.idx.msk $0xffff, v4;
	v4 =	vld [tilespmem:s27+$0xD0]  }
0x93: {  	[tilespmem:v0+s30+$0x830 ss:$0x1] =	vst.idx.msk $0xffff, v3;
	v3 =	vld [tilespmem:s27+$0xE0]  }
0x94: {  	s31 =	sadd.s32 $0x200, s27;
	p1 =	por $0x1, $0x1;
	[tilespmem:v0+s30+$0x860 ss:$0x1] =	vst.idx.msk $0xffff, v6;
	v6 =	vld [tilespmem:s27+$0xFFFFFF00]  }
0x95: {  	s2 =	sadd.s32 $0xFFFFFFFF, s1;
	s1 =	simm.s32 $0x0;
	s7 =	simm.s32 $0x0;
	[tilespmem:v1+s0+$0xC00 ss:$0x1] =	vst.idx.msk $0xffff, v2;
	v2 =	vld [tilespmem:s31+$0xF0]  }
.LBB1_9:
0x96: {  	p2 =	sne.s32 s2, $0x1;
	v8 =	vld [tilespmem:s31+$0xFFFFFF10];
	[tilespmem:v0+s30+$0xC30 ss:$0x1] =	vst.idx.msk $0xffff, v7;
	s1 =	sadd.s32 $0x80, s1;
	s7 =	sadd.s32 $0x200, s7  }
0x97: {  	s3 =	sand.u32 $0xFFFFF000, s7;
	s5 =	sand.u32 $0x380, s1;
	s4 =	sand.u32 $0x180, s1;
	v7 =	vld [tilespmem:s31+$0xFFFFFF20];
	[tilespmem:v0+s30+$0xC40 ss:$0x1] =	vst.idx.msk $0xffff, v5  }
0x98: {  	s3 =	sor.u32 s5, s3;
	v5 =	vld [tilespmem:s31+$0xFFFFFF30];
	[tilespmem:v0+s30+$0xC50 ss:$0x1] =	vst.idx.msk $0xffff, v4  }
0x99: {  	s5 =	sand.u32 $0x3200, s3;
	v4 =	vld [tilespmem:s31+$0xFFFFFF40];
	s3 =	sand.u32 $0x3380, s3;
	[tilespmem:v1+s0+$0x0 ss:$0x1] =	vst.idx.msk $0xffff, v6  }
0x9a: {  	s0 =	sadd.s32 s5, s25;
	v6 =	vld [tilespmem:s31+$0xFFFFFF50];
	[tilespmem:v0+s3+$0xC70 ss:$0x1] =	vst.idx.msk $0xffff, v2  }
0x9b: {  	s0 =	sadd.s32 s4, s0;
	v2 =	vld [tilespmem:s31+$0xFFFFFF60];
	[tilespmem:v0+s30+$0xC60 ss:$0x1] =	vst.idx.msk $0xffff, v3;
	s30 =	smov.u32 s3  }
0x9c: {  	[tilespmem:v1+s0+$0x10 ss:$0x1] =	vst.idx.msk $0xffff, v8;
	v3 =	vld [tilespmem:s31+$0xFFFFFF70]  }
0x9d: {  	[tilespmem:v1+s0+$0x20 ss:$0x1] =	vst.idx.msk $0xffff, v7;
	v7 =	vld [tilespmem:s31+$0xFFFFFF80]  }
0x9e: {  	[tilespmem:v1+s0+$0x30 ss:$0x1] =	vst.idx.msk $0xffff, v5;
	v5 =	vld [tilespmem:s31+$0xFFFFFF90]  }
0x9f: {  	[tilespmem:v1+s0+$0x40 ss:$0x1] =	vst.idx.msk $0xffff, v4;
	v4 =	vld [tilespmem:s31+$0xFFFFFFA0]  }
0xa0: {  	[tilespmem:v1+s0+$0x50 ss:$0x1] =	vst.idx.msk $0xffff, v6;
	v6 =	vld [tilespmem:s31+$0xFFFFFFB0]  }
0xa1: {  	[tilespmem:v1+s0+$0x60 ss:$0x1] =	vst.idx.msk $0xffff, v2;
	v2 =	vld [tilespmem:s31+$0xFFFFFFC0]  }
0xa2: {  	[tilespmem:v1+s0+$0x70 ss:$0x1] =	vst.idx.msk $0xffff, v3;
	v3 =	vld [tilespmem:s31+$0xFFFFFFD0]  }
0xa3: {  	[tilespmem:v1+s0+$0x400 ss:$0x1] =	vst.idx.msk $0xffff, v7;
	v7 =	vld [tilespmem:s31+$0xFFFFFFE0]  }
0xa4: {  	[tilespmem:v0+s30+$0x410 ss:$0x1] =	vst.idx.msk $0xffff, v5;
	v5 =	vld [tilespmem:s31+$0xFFFFFFF0]  }
0xa5: {  	[tilespmem:v0+s30+$0x420 ss:$0x1] =	vst.idx.msk $0xffff, v4;
	v4 =	vld [tilespmem:s31+$0x0]  }
0xa6: {  	[tilespmem:v0+s30+$0x430 ss:$0x1] =	vst.idx.msk $0xffff, v6;
	v6 =	vld [tilespmem:s31+$0x10]  }
0xa7: {  	[tilespmem:v0+s30+$0x440 ss:$0x1] =	vst.idx.msk $0xffff, v2;
	v2 =	vld [tilespmem:s31+$0x20]  }
0xa8: {  	[tilespmem:v0+s30+$0x450 ss:$0x1] =	vst.idx.msk $0xffff, v3;
	v3 =	vld [tilespmem:s31+$0x30]  }
0xa9: {  	[tilespmem:v0+s30+$0x460 ss:$0x1] =	vst.idx.msk $0xffff, v7;
	v7 =	vld [tilespmem:s31+$0x40]  }
0xaa: {  	[tilespmem:v0+s30+$0x470 ss:$0x1] =	vst.idx.msk $0xffff, v5;
	v5 =	vld [tilespmem:s31+$0x50]  }
0xab: {  	[tilespmem:v1+s0+$0x800 ss:$0x1] =	vst.idx.msk $0xffff, v4;
	v4 =	vld [tilespmem:s31+$0x60]  }
0xac: {  	[tilespmem:v0+s30+$0x810 ss:$0x1] =	vst.idx.msk $0xffff, v6;
	v6 =	vld [tilespmem:s31+$0x70]  }
0xad: {  	[tilespmem:v0+s30+$0x820 ss:$0x1] =	vst.idx.msk $0xffff, v2;
	v2 =	vld [tilespmem:s31+$0x80]  }
0xae: {  	[tilespmem:v0+s30+$0x830 ss:$0x1] =	vst.idx.msk $0xffff, v3;
	v8 =	vld [tilespmem:s31+$0x90]  }
0xaf: {  	[tilespmem:v0+s30+$0x840 ss:$0x1] =	vst.idx.msk $0xffff, v7;
	v9 =	vld [tilespmem:s31+$0xA0]  }
0xb0: {  	[tilespmem:v0+s30+$0x850 ss:$0x1] =	vst.idx.msk $0xffff, v5;
	v7 =	vld [tilespmem:s31+$0xB0]  }
.Ltmp8:
0xb1: {  	[tilespmem:v0+s30+$0x860 ss:$0x1] =	vst.idx.msk $0xffff, v4;
	v5 =	vld [tilespmem:s31+$0xC0];
	(pc) =	sbr.rel @p2 .LBB1_9-.Ltmp8, $4  }
0xb2: {  	[tilespmem:v0+s30+$0x870 ss:$0x1] =	vst.idx.msk $0xffff, v6;
	v4 =	vld [tilespmem:s31+$0xD0]  }
0xb3: {  	[tilespmem:v1+s0+$0xC00 ss:$0x1] =	vst.idx.msk $0xffff, v2;
	v3 =	vld [tilespmem:s31+$0xE0]  }
0xb4: {  	v6 =	vld [tilespmem:s31+$0xFFFFFF00];
	[tilespmem:v0+s30+$0xC10 ss:$0x1] =	vst.idx.msk $0xffff, v8;
	s31 =	sadd.s32 $0x200, s31  }
0xb5: {  	s2 =	sadd.s32 $0xFFFFFFFF, s2;
	v2 =	vld [tilespmem:s31+$0xF0];
	[tilespmem:v0+s30+$0xC20 ss:$0x1] =	vst.idx.msk $0xffff, v9  }
.LBB1_10:
0xb6: {  	_ =	sdelay $0x3  }
0xb7: {  	s1 =	sadd.s32 @p1 $0x80, s1;
	s2 =	sadd.s32 @p1 $0x200, s7;
	s3 =	simm.s32 $0x0;
	[tilespmem:v0+s30+$0xC30 ss:$0x1] =	vst.idx.msk @p1 $0xffff, v7  }
0xb8: {  	[tilespmem:v0+s30+$0xC40 ss:$0x1] =	vst.idx.msk @p1 $0xffff, v5;
	v41 =	vld [tilespmem:s31+$0xFFFFFF90];
	s3 =	smov.u32 @p1 s2;
	s29 =	smov.u32 @p1 s1  }
0xb9: {  	v42 =	vld [tilespmem:s31+$0xFFFFFFA0];
	[tilespmem:v0+s30+$0xC50 ss:$0x1] =	vst.idx.msk @p1 $0xffff, v4;
	s5 =	sand.u32 $0xFFFFF000, s3;
	s7 =	sand.u32 $0x380, s29  }
0xba: {  	v43 =	vld [tilespmem:s31+$0xFFFFFFB0];
	[tilespmem:v0+s30+$0xC60 ss:$0x1] =	vst.idx.msk @p1 $0xffff, v3;
	s1 =	sor.u32 s7, s5  }
0xbb: {  	v44 =	vld [tilespmem:s31+$0xFFFFFFC0];
	[tilespmem:v1+s0+$0x0 ss:$0x1] =	vst.idx.msk @p1 $0xffff, v6;
	s2 =	sand.u32 $0x3200, s1;
	s1 =	sand.u32 $0x3380, s1  }
0xbc: {  	v45 =	vld [tilespmem:s31+$0xFFFFFFD0];
	[tilespmem:v0+s1+$0xC70 ss:$0x1] =	vst.idx.msk $0xffff, v2  }
0xbd: {  	v46 =	vld [tilespmem:s31+$0xFFFFFFE0];
	[tilespmem:v0+s1+$0x410 ss:$0x1] =	vst.idx.msk $0xffff, v41  }
0xbe: {  	v47 =	vld [tilespmem:s31+$0xFFFFFFF0];
	[tilespmem:v0+s1+$0x420 ss:$0x1] =	vst.idx.msk $0xffff, v42  }
0xbf: {  	v49 =	vld [tilespmem:s31+$0x10];
	[tilespmem:v0+s1+$0x430 ss:$0x1] =	vst.idx.msk $0xffff, v43  }
0xc0: {  	v50 =	vld [tilespmem:s31+$0x20];
	[tilespmem:v0+s1+$0x440 ss:$0x1] =	vst.idx.msk $0xffff, v44  }
0xc1: {  	v51 =	vld [tilespmem:s31+$0x30];
	[tilespmem:v0+s1+$0x450 ss:$0x1] =	vst.idx.msk $0xffff, v45  }
0xc2: {  	v52 =	vld [tilespmem:s31+$0x40];
	[tilespmem:v0+s1+$0x460 ss:$0x1] =	vst.idx.msk $0xffff, v46  }
0xc3: {  	v53 =	vld [tilespmem:s31+$0x50];
	[tilespmem:v0+s1+$0x470 ss:$0x1] =	vst.idx.msk $0xffff, v47  }
0xc4: {  	v54 =	vld [tilespmem:s31+$0x60];
	[tilespmem:v0+s1+$0x810 ss:$0x1] =	vst.idx.msk $0xffff, v49  }
0xc5: {  	v55 =	vld [tilespmem:s31+$0x70];
	[tilespmem:v0+s1+$0x820 ss:$0x1] =	vst.idx.msk $0xffff, v50  }
0xc6: {  	v57 =	vld [tilespmem:s31+$0x90];
	[tilespmem:v0+s1+$0x830 ss:$0x1] =	vst.idx.msk $0xffff, v51  }
0xc7: {  	v58 =	vld [tilespmem:s31+$0xA0];
	[tilespmem:v0+s1+$0x840 ss:$0x1] =	vst.idx.msk $0xffff, v52  }
0xc8: {  	v59 =	vld [tilespmem:s31+$0xB0];
	[tilespmem:v0+s1+$0x850 ss:$0x1] =	vst.idx.msk $0xffff, v53  }
0xc9: {  	v60 =	vld [tilespmem:s31+$0xC0];
	[tilespmem:v0+s1+$0x860 ss:$0x1] =	vst.idx.msk $0xffff, v54  }
0xca: {  	v61 =	vld [tilespmem:s31+$0xD0];
	[tilespmem:v0+s1+$0x870 ss:$0x1] =	vst.idx.msk $0xffff, v55  }
0xcb: {  	v63 =	vld [tilespmem:s31+$0xE0];
	[tilespmem:v0+s1+$0xC10 ss:$0x1] =	vst.idx.msk $0xffff, v57  }
0xcc: {  	v33 =	vld [tilespmem:s31+$0xFFFFFF10];
	[tilespmem:v0+s1+$0xC20 ss:$0x1] =	vst.idx.msk $0xffff, v58  }
0xcd: {  	v34 =	vld [tilespmem:s31+$0xFFFFFF20];
	[tilespmem:v0+s1+$0xC30 ss:$0x1] =	vst.idx.msk $0xffff, v59  }
0xce: {  	v35 =	vld [tilespmem:s31+$0xFFFFFF30];
	[tilespmem:v0+s1+$0xC40 ss:$0x1] =	vst.idx.msk $0xffff, v60  }
0xcf: {  	v36 =	vld [tilespmem:s31+$0xFFFFFF40];
	s29 =	sand.u32 $0x180, s29;
	s2 =	sadd.s32 s2, s25;
	[tilespmem:v0+s1+$0xC50 ss:$0x1] =	vst.idx.msk $0xffff, v61  }
0xd0: {  	v37 =	vld [tilespmem:s31+$0xFFFFFF50];
	[tilespmem:v0+s1+$0xC60 ss:$0x1] =	vst.idx.msk $0xffff, v63;
	s0 =	sadd.s32 s29, s2  }
0xd1: {  	v38 =	vld [tilespmem:s31+$0xFFFFFF60];
	[tilespmem:v1+s0+$0x10 ss:$0x1] =	vst.idx.msk $0xffff, v33  }
0xd2: {  	v39 =	vld [tilespmem:s31+$0xFFFFFF70];
	[tilespmem:v1+s0+$0x20 ss:$0x1] =	vst.idx.msk $0xffff, v34  }
0xd3: {  	v40 =	vld [tilespmem:s31+$0xFFFFFF80];
	[tilespmem:v1+s0+$0x30 ss:$0x1] =	vst.idx.msk $0xffff, v35  }
0xd4: {  	v48 =	vld [tilespmem:s31+$0x0];
	[tilespmem:v1+s0+$0x40 ss:$0x1] =	vst.idx.msk $0xffff, v36  }
0xd5: {  	v56 =	vld [tilespmem:s31+$0x80];
	s28 =	sadd.s32 $0x1, s28;
	[tilespmem:v1+s0+$0x50 ss:$0x1] =	vst.idx.msk $0xffff, v37  }
0xd6: {  	v62 =	vld [tilespmem:s31+$0xFFFFFF00];
	p1 =	sne.s32 s28, s22;
	[tilespmem:v1+s0+$0x60 ss:$0x1] =	vst.idx.msk $0xffff, v38  }
.Ltmp9:
0xd7: {  	[tilespmem:v1+s0+$0x70 ss:$0x1] =	vst.idx.msk $0xffff, v39;
	(pc) =	sbr.rel @p1 .LBB1_5-.Ltmp9, $4  }
.Ltmp10:
0xd8: {  	[tilespmem:v1+s0+$0x400 ss:$0x1] =	vst.idx.msk $0xffff, v40;
	(pc) =	sbr.rel @!p1 .LBB1_11-.Ltmp10, $4  }
0xd9: {  	[tilespmem:v1+s0+$0x800 ss:$0x1] =	vst.idx.msk $0xffff, v48  }
0xda: {  	[tilespmem:v1+s0+$0xC00 ss:$0x1] =	vst.idx.msk $0xffff, v56  }
0xdb: {  	s27 =	sadd.s32 $0x4000, s27;
	[tilespmem:v1+s0+$0x0 ss:$0x1] =	vst.idx.msk $0xffff, v62  }
0xdc: {  	_ = 	snop  }
.LBB1_6:
.Ltmp11:
0xdd: {  	(pc) =	sbr.rel .LBB1_10-.Ltmp11, $2  }
0xde: {  	_ =	sdelay $0x2  }
0xdf: {  	s31 =	smov.u32 s27;
	s1 =	simm.s32 $0x0;
	s7 =	simm.s32 $0x0  }
.LBB1_8:
.Ltmp12:
0xe0: {  	(pc) =	sbr.rel .LBB1_10-.Ltmp12, $2  }
0xe1: {  	_ =	sdelay $0x2  }
0xe2: {  	s1 =	simm.s32 $0x0;
	s7 =	simm.s32 $0x0  }
.LBB1_14:
0xe3: {  	_ =	sfence.sel $0x180000  }
0xe4: {  	s0 =	simm.s32 $0x1;
	[bflag:$0x0] =	sbarrier.arrive $0xFFFF  }
0xe5: {  	s30 =	simm.s32 $0x2;
	[sflag:s0] =	ssyncpa.u1 $0x1  }
0xe6: {  	[sflag:s30] =	ssyncpa.u1 $0x1  }
0xe7: {  	_ =	strace $0x90000047  }
0xe8: {  	s31 =	stileid.u32;
	[bflag:$0x2] =	sbarrier.arrive $0xFFFF  }
0xe9: {  	p0 =	sne.s32 s31, $0x0;
	s0 =	rddreg [dreg:$0x2]  }
0xea: {  	s0 =	sadd.s32 @!p0 $0x100000, s0  }
0xeb: {  	[sflag:s0] =	ssyncadd.tile.s32 @!p0 $0x1;
	_ =	shalt  }
.Lfunc_end1:
_tile_overlayer_lowered:
.L_overlay_start_2:
0xec: {  	(tag) =	ssettag $0x2  }
0xed: {  	s0 =	rddreg [dreg:$0x0];
	s2 =	stileid.u32  }
0xee: {  	s1 =	rddreg [dreg:$0x1];
	p0 =	sne.s32 s2, $0x0  }
0xef: {  	s3 =	rddreg [dreg:$0x2];
	[bflag:$0x3] =	sbarrier.arrive $0xFFFF;
	s2 =	simm.s32 @!p0 $0x1C01  }
0xf0: {  	[timem:s3], [sflag:s2] =	dma.local @!p0 [hbm:s0], s1  }
0xf1: {  	s0 =	simm.s32 @!p0 $0x1  }
0xf2: {  	_ =	swait.ge @!p0 [sflag:s0], s1  }
0xf3: {  	s1 =	ssub.s32 @!p0 $0x0, s1;
	[sflag:s0] =	ssyncset.done @!p0 $0x0  }
0xf4: {  	[sflag:s0] =	ssyncadd.s32 @!p0 s1  }
0xf5: {  	[bflag:$0x3] =	sbarrier.arrive $0xFFFF  }
0xf6: {  	_ =	shalt  }

</sc_bundles>
